<compile_context>
chip_gen: v7x
topology: tpu7x:2x2x1
jax: 0.10.2.dev20260603
libtpu: 0.0.44.dev20260713+nightly
codegen_flags: <defaults>
</compile_context>

<pallas_src>
import functools

import jax
import jax.numpy as jnp
from jax import lax
from jax.experimental import pallas as pl
from jax.experimental.pallas import tpu as pltpu
from jax.experimental.pallas import tpu_sc as plsc

D_MODEL = 2048
NUM_CORES = 2
NUM_SUBCORES = 16
NUM_WORKERS = NUM_CORES * NUM_SUBCORES
CHUNK = 8
NBUF = 4


def _make_lookup(n_idx: int, d: int):
  assert n_idx % (8 * NUM_WORKERS) == 0
  per_w = n_idx // NUM_WORKERS
  assert per_w % (NBUF * CHUNK) == 0
  n_chunks = per_w // CHUNK
  assert n_chunks >= 2 * NBUF

  mesh = plsc.VectorSubcoreMesh(
      core_axis_name="c", subcore_axis_name="s",
      num_cores=NUM_CORES, num_subcores=NUM_SUBCORES)

  @functools.partial(
      pl.kernel,
      out_type=jax.ShapeDtypeStruct((n_idx, d), jnp.float32),
      mesh=mesh,
      scratch_types=[
          pltpu.VMEM((n_chunks, CHUNK), jnp.int32),
          [pltpu.VMEM((CHUNK, d), jnp.float32) for _ in range(NBUF)],
          [pltpu.SemaphoreType.DMA for _ in range(NBUF)],
          [pltpu.SemaphoreType.DMA for _ in range(NBUF)],
      ],
  )
  def lookup(table_hbm, idx_hbm, out_hbm, idx_v, bufs, gsems, wsems):
    wid = lax.axis_index("s") * NUM_CORES + lax.axis_index("c")
    base = wid * per_w
    pltpu.sync_copy(idx_hbm.at[wid], idx_v)

    def gather(jj, b):
      return pltpu.make_async_copy(
          table_hbm.at[idx_v.at[jj]], bufs[b], gsems[b])

    def writeback(jj, b):
      return pltpu.make_async_copy(
          bufs[b], out_hbm.at[pl.ds(base + jj * CHUNK, CHUNK)], wsems[b])

    for b in range(NBUF - 2):
      gather(b, b).start()

    @pl.loop(0, n_chunks, step=NBUF)
    def _(j):
      for b in range(NBUF):
        jj = j + b
        gather(jj, b).wait()
        writeback(jj, b).start()
        fut = jj + NBUF - 2
        fb = (b + NBUF - 2) % NBUF

        @pl.when((fut < n_chunks) & (jj >= 2))
        def _():
          writeback(jj - 2, fb).wait()

        @pl.when(fut < n_chunks)
        def _():
          gather(fut, fb).start()

    for i in range(NBUF):
      jj = n_chunks - NBUF + i
      writeback(jj, jj % NBUF).wait()

  return lookup


def kernel(ipt, table):
  b, s = ipt.shape
  v, d = table.shape
  n = b * s
  idx = ipt.reshape(NUM_WORKERS, n // (NUM_WORKERS * CHUNK), CHUNK)
  idx = idx.astype(jnp.int32)
  out = _make_lookup(n, d)(table, idx)
  return out.reshape(b, s, d)

# --- scband reference (transcript-rebuilt; emitter-appended) ---
"""Pipeline reference for scband-embedding-pipe-layer-90512140796605 (READ-ONLY COPY).

The authoritative reference and input builder live on the scoring server;
editing this copy changes nothing except your own understanding.
"""

import jax, jax.numpy as jnp
import numpy as np

VOCAB = 151936
D_MODEL = 2048
BATCH = 4
SEQ = 4096

def setup_inputs(seed: int = 0) -> dict:
    key = jax.random.key(seed)
    k1, k2 = jax.random.split(key)
    ipt = jax.random.randint(k1, (BATCH, SEQ), 0, VOCAB)
    table = jax.random.normal(k2, (VOCAB, D_MODEL), dtype=jnp.float32) * 0.02
    return {"ipt": ipt, "table": table}

def reference(ipt, table):
    # forward: llm_tokens = ipt.long(); return embed_tokens(llm_tokens)
    llm_tokens = ipt.astype(jnp.int32)
    return jnp.take(table, llm_tokens, axis=0)

if __name__ == "__main__":
    import jax
    _d = setup_inputs()
    print(jax.jit(kernel)(*tuple(_d.values())))

</pallas_src>

<mosaic_0001>
#map = affine_map<(d0, d1) -> (0, 0)>
#map1 = affine_map<(d0, d1) -> (0, 0, 0)>
module attributes {stable_mosaic.version = 14 : i64} {
  func.func @lookup(%arg0: i32, %arg1: i32, %arg2: memref<151936x2048xf32, #tpu.memory_space<hbm>>, %arg3: memref<32x64x8xi32, #tpu.memory_space<hbm>>, %arg4: memref<16384x2048xf32, #tpu.memory_space<hbm>>, %arg5: memref<64x8xi32, #tpu.memory_space<vmem>>, %arg6: memref<8x2048xf32, #tpu.memory_space<vmem>>, %arg7: memref<8x2048xf32, #tpu.memory_space<vmem>>, %arg8: memref<8x2048xf32, #tpu.memory_space<vmem>>, %arg9: memref<8x2048xf32, #tpu.memory_space<vmem>>, %arg10: memref<!tpu.dma_semaphore, #tpu.memory_space<semaphore_mem>>, %arg11: memref<!tpu.dma_semaphore, #tpu.memory_space<semaphore_mem>>, %arg12: memref<!tpu.dma_semaphore, #tpu.memory_space<semaphore_mem>>, %arg13: memref<!tpu.dma_semaphore, #tpu.memory_space<semaphore_mem>>, %arg14: memref<!tpu.dma_semaphore, #tpu.memory_space<semaphore_mem>>, %arg15: memref<!tpu.dma_semaphore, #tpu.memory_space<semaphore_mem>>, %arg16: memref<!tpu.dma_semaphore, #tpu.memory_space<semaphore_mem>>, %arg17: memref<!tpu.dma_semaphore, #tpu.memory_space<semaphore_mem>>) attributes {dimension_semantics = [#tpu.dimension_semantics<core_parallel>, #tpu.dimension_semantics<subcore_parallel>], iteration_bounds = array<i64: 2, 16>, scalar_prefetch = 0 : i64, scratch_operands = 13 : i64, tpu.core_type = #tpu.core_type<sc_vector_subcore>, window_params = [{transform_indices = #map}, {transform_indices = #map1}, {transform_indices = #map}]} {
    %mul3A = arith.constant 2 : i32
    %mul3A_0 = arith.muli %arg1, %mul3A : i32
    %add3A = arith.addi %mul3A_0, %arg0 : i32
    %mul3A_1 = arith.constant 512 : i32
    %mul3A_2 = arith.muli %add3A, %mul3A_1 : i32
    "tpu.region"() ({
      %run_scoped3A = tpu.sem_alloc : memref<!tpu.dma_semaphore, #tpu.memory_space<semaphore_mem>>
      %dma_start3A_43 = arith.constant 0 : i32
      %dma_start3A_44 = arith.constant 0 : i32
      %dma_start3A_45 = tpu.memref_slice %arg3[%add3A, %dma_start3A_43, %dma_start3A_44] : memref<32x64x8xi32, #tpu.memory_space<hbm>> -> memref<1x64x8xi32, #tpu.memory_space<hbm>>
      %dma_start3A_46 = tpu.memref_squeeze %dma_start3A_45 : memref<1x64x8xi32, #tpu.memory_space<hbm>> -> memref<64x8xi32, #tpu.memory_space<hbm>>
      %dma_start3A_47 = arith.constant 0 : i32
      %dma_start3A_48 = arith.constant 0 : i32
      %dma_start3A_49 = tpu.memref_slice %arg3[%add3A, %dma_start3A_47, %dma_start3A_48] : memref<32x64x8xi32, #tpu.memory_space<hbm>> -> memref<1x64x8xi32, #tpu.memory_space<hbm>>
      %dma_start3A_50 = tpu.memref_squeeze %dma_start3A_49 : memref<1x64x8xi32, #tpu.memory_space<hbm>> -> memref<64x8xi32, #tpu.memory_space<hbm>>
      tpu.enqueue_dma source(%dma_start3A_50 : memref<64x8xi32, #tpu.memory_space<hbm>>) target(%arg5 : memref<64x8xi32, #tpu.memory_space<vmem>>) target_semaphore(%run_scoped3A : memref<!tpu.dma_semaphore, #tpu.memory_space<semaphore_mem>>)
      %dma_wait3A_51 = arith.constant 0 : i32
      %dma_wait3A_52 = arith.constant 0 : i32
      %dma_wait3A_53 = tpu.memref_slice %arg3[%add3A, %dma_wait3A_51, %dma_wait3A_52] : memref<32x64x8xi32, #tpu.memory_space<hbm>> -> memref<1x64x8xi32, #tpu.memory_space<hbm>>
      %dma_wait3A_54 = tpu.memref_squeeze %dma_wait3A_53 : memref<1x64x8xi32, #tpu.memory_space<hbm>> -> memref<64x8xi32, #tpu.memory_space<hbm>>
      %dma_wait3A_55 = arith.constant 0 : i32
      %dma_wait3A_56 = arith.constant 0 : i32
      %dma_wait3A_57 = tpu.memref_slice %arg3[%add3A, %dma_wait3A_55, %dma_wait3A_56] : memref<32x64x8xi32, #tpu.memory_space<hbm>> -> memref<1x64x8xi32, #tpu.memory_space<hbm>>
      %dma_wait3A_58 = tpu.memref_squeeze %dma_wait3A_57 : memref<1x64x8xi32, #tpu.memory_space<hbm>> -> memref<64x8xi32, #tpu.memory_space<hbm>>
      tpu.wait_dma2 semaphore(%run_scoped3A : memref<!tpu.dma_semaphore, #tpu.memory_space<semaphore_mem>>) src(%dma_wait3A_58 : memref<64x8xi32, #tpu.memory_space<hbm>>) dst(%arg5 : memref<64x8xi32, #tpu.memory_space<vmem>>)
      tpu.yield
    }) : () -> ()
    %dma_start3A = arith.constant 0 : i32
    %dma_start3A_3 = arith.constant 0 : i32
    %dma_start3A_4 = tpu.memref_slice %arg5[%dma_start3A, %dma_start3A_3] : memref<64x8xi32, #tpu.memory_space<vmem>> -> memref<1x8xi32, #tpu.memory_space<vmem>>
    %dma_start3A_5 = tpu.memref_squeeze %dma_start3A_4 : memref<1x8xi32, #tpu.memory_space<vmem>> -> memref<8xi32, #tpu.memory_space<vmem>>
    %dma_start3A_6 = arith.constant 0 : i32
    %dma_start3A_7 = arith.constant 0 : i32
    %dma_start3A_8 = tpu.memref_slice %arg2[%dma_start3A_6, %dma_start3A_7] : memref<151936x2048xf32, #tpu.memory_space<hbm>> -> memref<151936x2048xf32, #tpu.memory_space<hbm>>
    tpu.enqueue_indirect_dma source(%dma_start3A_8 : memref<151936x2048xf32, #tpu.memory_space<hbm>>) target(%arg6 : memref<8x2048xf32, #tpu.memory_space<vmem>>) offsets(%dma_start3A_5 : memref<8xi32, #tpu.memory_space<vmem>>) semaphore(%arg10 : memref<!tpu.dma_semaphore, #tpu.memory_space<semaphore_mem>>)
    %dma_start3A_9 = arith.constant 1 : i32
    %dma_start3A_10 = arith.constant 0 : i32
    %dma_start3A_11 = tpu.memref_slice %arg5[%dma_start3A_9, %dma_start3A_10] : memref<64x8xi32, #tpu.memory_space<vmem>> -> memref<1x8xi32, #tpu.memory_space<vmem>>
    %dma_start3A_12 = tpu.memref_squeeze %dma_start3A_11 : memref<1x8xi32, #tpu.memory_space<vmem>> -> memref<8xi32, #tpu.memory_space<vmem>>
    %dma_start3A_13 = arith.constant 0 : i32
    %dma_start3A_14 = arith.constant 0 : i32
    %dma_start3A_15 = tpu.memref_slice %arg2[%dma_start3A_13, %dma_start3A_14] : memref<151936x2048xf32, #tpu.memory_space<hbm>> -> memref<151936x2048xf32, #tpu.memory_space<hbm>>
    tpu.enqueue_indirect_dma source(%dma_start3A_15 : memref<151936x2048xf32, #tpu.memory_space<hbm>>) target(%arg7 : memref<8x2048xf32, #tpu.memory_space<vmem>>) offsets(%dma_start3A_12 : memref<8xi32, #tpu.memory_space<vmem>>) semaphore(%arg11 : memref<!tpu.dma_semaphore, #tpu.memory_space<semaphore_mem>>)
    %scan3A = arith.constant 0 : i32
    %scan3A_16 = arith.constant 16 : i32
    %scan3A_17 = arith.addi %scan3A, %scan3A_16 : i32
    %scan3A_18 = arith.constant 1 : i32
    scf.for %scan3A_43 = %scan3A to %scan3A_17 step %scan3A_18  : i32 {
      %mul3A_44 = arith.constant 4 : i32
      %mul3A_45 = arith.muli %scan3A_43, %mul3A_44 : i32
      %add3A_46 = arith.constant 0 : i32
      %add3A_47 = arith.addi %add3A_46, %mul3A_45 : i32
      %add3A_48 = arith.constant 0 : i32
      %add3A_49 = arith.addi %add3A_47, %add3A_48 : i32
      %dma_wait3A_50 = arith.constant 0 : i32
      %dma_wait3A_51 = tpu.memref_slice %arg5[%add3A_49, %dma_wait3A_50] : memref<64x8xi32, #tpu.memory_space<vmem>> -> memref<1x8xi32, #tpu.memory_space<vmem>>
      %dma_wait3A_52 = tpu.memref_squeeze %dma_wait3A_51 : memref<1x8xi32, #tpu.memory_space<vmem>> -> memref<8xi32, #tpu.memory_space<vmem>>
      %dma_wait3A_53 = arith.constant 0 : i32
      %dma_wait3A_54 = arith.constant 0 : i32
      %dma_wait3A_55 = tpu.memref_slice %arg2[%dma_wait3A_53, %dma_wait3A_54] : memref<151936x2048xf32, #tpu.memory_space<hbm>> -> memref<151936x2048xf32, #tpu.memory_space<hbm>>
      tpu.wait_indirect_dma semaphore(%arg10 : memref<!tpu.dma_semaphore, #tpu.memory_space<semaphore_mem>>) src(%dma_wait3A_55 : memref<151936x2048xf32, #tpu.memory_space<hbm>>) dst(%arg6 : memref<8x2048xf32, #tpu.memory_space<vmem>>)
      %mul3A_56 = arith.constant 8 : i32
      %mul3A_57 = arith.muli %add3A_49, %mul3A_56 : i32
      %add3A_58 = arith.addi %mul3A_2, %mul3A_57 : i32
      %dma_start3A_59 = arith.constant 0 : i32
      %dma_start3A_60 = tpu.memref_slice %arg4[%add3A_58, %dma_start3A_59] : memref<16384x2048xf32, #tpu.memory_space<hbm>> -> memref<8x2048xf32, #tpu.memory_space<hbm>>
      %dma_start3A_61 = arith.constant 0 : i32
      %dma_start3A_62 = tpu.memref_slice %arg4[%add3A_58, %dma_start3A_61] : memref<16384x2048xf32, #tpu.memory_space<hbm>> -> memref<8x2048xf32, #tpu.memory_space<hbm>>
      tpu.enqueue_dma source(%arg6 : memref<8x2048xf32, #tpu.memory_space<vmem>>) target(%dma_start3A_62 : memref<8x2048xf32, #tpu.memory_space<hbm>>) target_semaphore(%arg14 : memref<!tpu.dma_semaphore, #tpu.memory_space<semaphore_mem>>)
      %add3A_63 = arith.constant 4 : i32
      %add3A_64 = arith.addi %add3A_49, %add3A_63 : i32
      %sub3A = arith.constant 2 : i32
      %sub3A_65 = arith.subi %add3A_64, %sub3A : i32
      %lt3A = arith.constant 64 : i32
      %lt3A_66 = arith.cmpi slt, %sub3A_65, %lt3A : i32
      %ge3A = arith.constant 2 : i32
      %ge3A_67 = arith.cmpi sge, %add3A_49, %ge3A : i32
      %and3A = arith.andi %lt3A_66, %ge3A_67 : i1
      %convert_element_type3A = arith.extui %and3A : i1 to i32
      %cond3A = arith.constant 0 : i32
      %cond3A_68 = arith.cmpi ne, %convert_element_type3A, %cond3A : i32
      scf.if %cond3A_68 {
        %sub3A_170 = arith.constant 2 : i32
        %sub3A_171 = arith.subi %add3A_49, %sub3A_170 : i32
        %mul3A_172 = arith.constant 8 : i32
        %mul3A_173 = arith.muli %sub3A_171, %mul3A_172 : i32
        %add3A_174 = arith.addi %mul3A_2, %mul3A_173 : i32
        %dma_wait3A_175 = arith.constant 0 : i32
        %dma_wait3A_176 = tpu.memref_slice %arg4[%add3A_174, %dma_wait3A_175] : memref<16384x2048xf32, #tpu.memory_space<hbm>> -> memref<8x2048xf32, #tpu.memory_space<hbm>>
        %dma_wait3A_177 = arith.constant 0 : i32
        %dma_wait3A_178 = tpu.memref_slice %arg4[%add3A_174, %dma_wait3A_177] : memref<16384x2048xf32, #tpu.memory_space<hbm>> -> memref<8x2048xf32, #tpu.memory_space<hbm>>
        tpu.wait_dma2 semaphore(%arg16 : memref<!tpu.dma_semaphore, #tpu.memory_space<semaphore_mem>>) src(%arg8 : memref<8x2048xf32, #tpu.memory_space<vmem>>) dst(%dma_wait3A_178 : memref<8x2048xf32, #tpu.memory_space<hbm>>)
      } else {
      }
      %lt3A_69 = arith.constant 64 : i32
      %lt3A_70 = arith.cmpi slt, %sub3A_65, %lt3A_69 : i32
      %convert_element_type3A_71 = arith.extui %lt3A_70 : i1 to i32
      %cond3A_72 = arith.constant 0 : i32
      %cond3A_73 = arith.cmpi ne, %convert_element_type3A_71, %cond3A_72 : i32
      scf.if %cond3A_73 {
        %dma_start3A_170 = arith.constant 0 : i32
        %dma_start3A_171 = tpu.memref_slice %arg5[%sub3A_65, %dma_start3A_170] : memref<64x8xi32, #tpu.memory_space<vmem>> -> memref<1x8xi32, #tpu.memory_space<vmem>>
        %dma_start3A_172 = tpu.memref_squeeze %dma_start3A_171 : memref<1x8xi32, #tpu.memory_space<vmem>> -> memref<8xi32, #tpu.memory_space<vmem>>
        %dma_start3A_173 = arith.constant 0 : i32
        %dma_start3A_174 = arith.constant 0 : i32
        %dma_start3A_175 = tpu.memref_slice %arg2[%dma_start3A_173, %dma_start3A_174] : memref<151936x2048xf32, #tpu.memory_space<hbm>> -> memref<151936x2048xf32, #tpu.memory_space<hbm>>
        tpu.enqueue_indirect_dma source(%dma_start3A_175 : memref<151936x2048xf32, #tpu.memory_space<hbm>>) target(%arg8 : memref<8x2048xf32, #tpu.memory_space<vmem>>) offsets(%dma_start3A_172 : memref<8xi32, #tpu.memory_space<vmem>>) semaphore(%arg12 : memref<!tpu.dma_semaphore, #tpu.memory_space<semaphore_mem>>)
      } else {
      }
      %add3A_74 = arith.constant 1 : i32
      %add3A_75 = arith.addi %add3A_47, %add3A_74 : i32
      %dma_wait3A_76 = arith.constant 0 : i32
      %dma_wait3A_77 = tpu.memref_slice %arg5[%add3A_75, %dma_wait3A_76] : memref<64x8xi32, #tpu.memory_space<vmem>> -> memref<1x8xi32, #tpu.memory_space<vmem>>
      %dma_wait3A_78 = tpu.memref_squeeze %dma_wait3A_77 : memref<1x8xi32, #tpu.memory_space<vmem>> -> memref<8xi32, #tpu.memory_space<vmem>>
      %dma_wait3A_79 = arith.constant 0 : i32
      %dma_wait3A_80 = arith.constant 0 : i32
      %dma_wait3A_81 = tpu.memref_slice %arg2[%dma_wait3A_79, %dma_wait3A_80] : memref<151936x2048xf32, #tpu.memory_space<hbm>> -> memref<151936x2048xf32, #tpu.memory_space<hbm>>
      tpu.wait_indirect_dma semaphore(%arg11 : memref<!tpu.dma_semaphore, #tpu.memory_space<semaphore_mem>>) src(%dma_wait3A_81 : memref<151936x2048xf32, #tpu.memory_space<hbm>>) dst(%arg7 : memref<8x2048xf32, #tpu.memory_space<vmem>>)
      %mul3A_82 = arith.constant 8 : i32
      %mul3A_83 = arith.muli %add3A_75, %mul3A_82 : i32
      %add3A_84 = arith.addi %mul3A_2, %mul3A_83 : i32
      %dma_start3A_85 = arith.constant 0 : i32
      %dma_start3A_86 = tpu.memref_slice %arg4[%add3A_84, %dma_start3A_85] : memref<16384x2048xf32, #tpu.memory_space<hbm>> -> memref<8x2048xf32, #tpu.memory_space<hbm>>
      %dma_start3A_87 = arith.constant 0 : i32
      %dma_start3A_88 = tpu.memref_slice %arg4[%add3A_84, %dma_start3A_87] : memref<16384x2048xf32, #tpu.memory_space<hbm>> -> memref<8x2048xf32, #tpu.memory_space<hbm>>
      tpu.enqueue_dma source(%arg7 : memref<8x2048xf32, #tpu.memory_space<vmem>>) target(%dma_start3A_88 : memref<8x2048xf32, #tpu.memory_space<hbm>>) target_semaphore(%arg15 : memref<!tpu.dma_semaphore, #tpu.memory_space<semaphore_mem>>)
      %add3A_89 = arith.constant 4 : i32
      %add3A_90 = arith.addi %add3A_75, %add3A_89 : i32
      %sub3A_91 = arith.constant 2 : i32
      %sub3A_92 = arith.subi %add3A_90, %sub3A_91 : i32
      %lt3A_93 = arith.constant 64 : i32
      %lt3A_94 = arith.cmpi slt, %sub3A_92, %lt3A_93 : i32
      %ge3A_95 = arith.constant 2 : i32
      %ge3A_96 = arith.cmpi sge, %add3A_75, %ge3A_95 : i32
      %and3A_97 = arith.andi %lt3A_94, %ge3A_96 : i1
      %convert_element_type3A_98 = arith.extui %and3A_97 : i1 to i32
      %cond3A_99 = arith.constant 0 : i32
      %cond3A_100 = arith.cmpi ne, %convert_element_type3A_98, %cond3A_99 : i32
      scf.if %cond3A_100 {
        %sub3A_170 = arith.constant 2 : i32
        %sub3A_171 = arith.subi %add3A_75, %sub3A_170 : i32
        %mul3A_172 = arith.constant 8 : i32
        %mul3A_173 = arith.muli %sub3A_171, %mul3A_172 : i32
        %add3A_174 = arith.addi %mul3A_2, %mul3A_173 : i32
        %dma_wait3A_175 = arith.constant 0 : i32
        %dma_wait3A_176 = tpu.memref_slice %arg4[%add3A_174, %dma_wait3A_175] : memref<16384x2048xf32, #tpu.memory_space<hbm>> -> memref<8x2048xf32, #tpu.memory_space<hbm>>
        %dma_wait3A_177 = arith.constant 0 : i32
        %dma_wait3A_178 = tpu.memref_slice %arg4[%add3A_174, %dma_wait3A_177] : memref<16384x2048xf32, #tpu.memory_space<hbm>> -> memref<8x2048xf32, #tpu.memory_space<hbm>>
        tpu.wait_dma2 semaphore(%arg17 : memref<!tpu.dma_semaphore, #tpu.memory_space<semaphore_mem>>) src(%arg9 : memref<8x2048xf32, #tpu.memory_space<vmem>>) dst(%dma_wait3A_178 : memref<8x2048xf32, #tpu.memory_space<hbm>>)
      } else {
      }
      %lt3A_101 = arith.constant 64 : i32
      %lt3A_102 = arith.cmpi slt, %sub3A_92, %lt3A_101 : i32
      %convert_element_type3A_103 = arith.extui %lt3A_102 : i1 to i32
      %cond3A_104 = arith.constant 0 : i32
      %cond3A_105 = arith.cmpi ne, %convert_element_type3A_103, %cond3A_104 : i32
      scf.if %cond3A_105 {
        %dma_start3A_170 = arith.constant 0 : i32
        %dma_start3A_171 = tpu.memref_slice %arg5[%sub3A_92, %dma_start3A_170] : memref<64x8xi32, #tpu.memory_space<vmem>> -> memref<1x8xi32, #tpu.memory_space<vmem>>
        %dma_start3A_172 = tpu.memref_squeeze %dma_start3A_171 : memref<1x8xi32, #tpu.memory_space<vmem>> -> memref<8xi32, #tpu.memory_space<vmem>>
        %dma_start3A_173 = arith.constant 0 : i32
        %dma_start3A_174 = arith.constant 0 : i32
        %dma_start3A_175 = tpu.memref_slice %arg2[%dma_start3A_173, %dma_start3A_174] : memref<151936x2048xf32, #tpu.memory_space<hbm>> -> memref<151936x2048xf32, #tpu.memory_space<hbm>>
        tpu.enqueue_indirect_dma source(%dma_start3A_175 : memref<151936x2048xf32, #tpu.memory_space<hbm>>) target(%arg9 : memref<8x2048xf32, #tpu.memory_space<vmem>>) offsets(%dma_start3A_172 : memref<8xi32, #tpu.memory_space<vmem>>) semaphore(%arg13 : memref<!tpu.dma_semaphore, #tpu.memory_space<semaphore_mem>>)
      } else {
      }
      %add3A_106 = arith.constant 2 : i32
      %add3A_107 = arith.addi %add3A_47, %add3A_106 : i32
      %dma_wait3A_108 = arith.constant 0 : i32
      %dma_wait3A_109 = tpu.memref_slice %arg5[%add3A_107, %dma_wait3A_108] : memref<64x8xi32, #tpu.memory_space<vmem>> -> memref<1x8xi32, #tpu.memory_space<vmem>>
      %dma_wait3A_110 = tpu.memref_squeeze %dma_wait3A_109 : memref<1x8xi32, #tpu.memory_space<vmem>> -> memref<8xi32, #tpu.memory_space<vmem>>
      %dma_wait3A_111 = arith.constant 0 : i32
      %dma_wait3A_112 = arith.constant 0 : i32
      %dma_wait3A_113 = tpu.memref_slice %arg2[%dma_wait3A_111, %dma_wait3A_112] : memref<151936x2048xf32, #tpu.memory_space<hbm>> -> memref<151936x2048xf32, #tpu.memory_space<hbm>>
      tpu.wait_indirect_dma semaphore(%arg12 : memref<!tpu.dma_semaphore, #tpu.memory_space<semaphore_mem>>) src(%dma_wait3A_113 : memref<151936x2048xf32, #tpu.memory_space<hbm>>) dst(%arg8 : memref<8x2048xf32, #tpu.memory_space<vmem>>)
      %mul3A_114 = arith.constant 8 : i32
      %mul3A_115 = arith.muli %add3A_107, %mul3A_114 : i32
      %add3A_116 = arith.addi %mul3A_2, %mul3A_115 : i32
      %dma_start3A_117 = arith.constant 0 : i32
      %dma_start3A_118 = tpu.memref_slice %arg4[%add3A_116, %dma_start3A_117] : memref<16384x2048xf32, #tpu.memory_space<hbm>> -> memref<8x2048xf32, #tpu.memory_space<hbm>>
      %dma_start3A_119 = arith.constant 0 : i32
      %dma_start3A_120 = tpu.memref_slice %arg4[%add3A_116, %dma_start3A_119] : memref<16384x2048xf32, #tpu.memory_space<hbm>> -> memref<8x2048xf32, #tpu.memory_space<hbm>>
      tpu.enqueue_dma source(%arg8 : memref<8x2048xf32, #tpu.memory_space<vmem>>) target(%dma_start3A_120 : memref<8x2048xf32, #tpu.memory_space<hbm>>) target_semaphore(%arg16 : memref<!tpu.dma_semaphore, #tpu.memory_space<semaphore_mem>>)
      %add3A_121 = arith.constant 4 : i32
      %add3A_122 = arith.addi %add3A_107, %add3A_121 : i32
      %sub3A_123 = arith.constant 2 : i32
      %sub3A_124 = arith.subi %add3A_122, %sub3A_123 : i32
      %lt3A_125 = arith.constant 64 : i32
      %lt3A_126 = arith.cmpi slt, %sub3A_124, %lt3A_125 : i32
      %ge3A_127 = arith.constant 2 : i32
      %ge3A_128 = arith.cmpi sge, %add3A_107, %ge3A_127 : i32
      %and3A_129 = arith.andi %lt3A_126, %ge3A_128 : i1
      %convert_element_type3A_130 = arith.extui %and3A_129 : i1 to i32
      %cond3A_131 = arith.constant 0 : i32
      %cond3A_132 = arith.cmpi ne, %convert_element_type3A_130, %cond3A_131 : i32
      scf.if %cond3A_132 {
        %sub3A_170 = arith.constant 2 : i32
        %sub3A_171 = arith.subi %add3A_107, %sub3A_170 : i32
        %mul3A_172 = arith.constant 8 : i32
        %mul3A_173 = arith.muli %sub3A_171, %mul3A_172 : i32
        %add3A_174 = arith.addi %mul3A_2, %mul3A_173 : i32
        %dma_wait3A_175 = arith.constant 0 : i32
        %dma_wait3A_176 = tpu.memref_slice %arg4[%add3A_174, %dma_wait3A_175] : memref<16384x2048xf32, #tpu.memory_space<hbm>> -> memref<8x2048xf32, #tpu.memory_space<hbm>>
        %dma_wait3A_177 = arith.constant 0 : i32
        %dma_wait3A_178 = tpu.memref_slice %arg4[%add3A_174, %dma_wait3A_177] : memref<16384x2048xf32, #tpu.memory_space<hbm>> -> memref<8x2048xf32, #tpu.memory_space<hbm>>
        tpu.wait_dma2 semaphore(%arg14 : memref<!tpu.dma_semaphore, #tpu.memory_space<semaphore_mem>>) src(%arg6 : memref<8x2048xf32, #tpu.memory_space<vmem>>) dst(%dma_wait3A_178 : memref<8x2048xf32, #tpu.memory_space<hbm>>)
      } else {
      }
      %lt3A_133 = arith.constant 64 : i32
      %lt3A_134 = arith.cmpi slt, %sub3A_124, %lt3A_133 : i32
      %convert_element_type3A_135 = arith.extui %lt3A_134 : i1 to i32
      %cond3A_136 = arith.constant 0 : i32
      %cond3A_137 = arith.cmpi ne, %convert_element_type3A_135, %cond3A_136 : i32
      scf.if %cond3A_137 {
        %dma_start3A_170 = arith.constant 0 : i32
        %dma_start3A_171 = tpu.memref_slice %arg5[%sub3A_124, %dma_start3A_170] : memref<64x8xi32, #tpu.memory_space<vmem>> -> memref<1x8xi32, #tpu.memory_space<vmem>>
        %dma_start3A_172 = tpu.memref_squeeze %dma_start3A_171 : memref<1x8xi32, #tpu.memory_space<vmem>> -> memref<8xi32, #tpu.memory_space<vmem>>
        %dma_start3A_173 = arith.constant 0 : i32
        %dma_start3A_174 = arith.constant 0 : i32
        %dma_start3A_175 = tpu.memref_slice %arg2[%dma_start3A_173, %dma_start3A_174] : memref<151936x2048xf32, #tpu.memory_space<hbm>> -> memref<151936x2048xf32, #tpu.memory_space<hbm>>
        tpu.enqueue_indirect_dma source(%dma_start3A_175 : memref<151936x2048xf32, #tpu.memory_space<hbm>>) target(%arg6 : memref<8x2048xf32, #tpu.memory_space<vmem>>) offsets(%dma_start3A_172 : memref<8xi32, #tpu.memory_space<vmem>>) semaphore(%arg10 : memref<!tpu.dma_semaphore, #tpu.memory_space<semaphore_mem>>)
      } else {
      }
      %add3A_138 = arith.constant 3 : i32
      %add3A_139 = arith.addi %add3A_47, %add3A_138 : i32
      %dma_wait3A_140 = arith.constant 0 : i32
      %dma_wait3A_141 = tpu.memref_slice %arg5[%add3A_139, %dma_wait3A_140] : memref<64x8xi32, #tpu.memory_space<vmem>> -> memref<1x8xi32, #tpu.memory_space<vmem>>
      %dma_wait3A_142 = tpu.memref_squeeze %dma_wait3A_141 : memref<1x8xi32, #tpu.memory_space<vmem>> -> memref<8xi32, #tpu.memory_space<vmem>>
      %dma_wait3A_143 = arith.constant 0 : i32
      %dma_wait3A_144 = arith.constant 0 : i32
      %dma_wait3A_145 = tpu.memref_slice %arg2[%dma_wait3A_143, %dma_wait3A_144] : memref<151936x2048xf32, #tpu.memory_space<hbm>> -> memref<151936x2048xf32, #tpu.memory_space<hbm>>
      tpu.wait_indirect_dma semaphore(%arg13 : memref<!tpu.dma_semaphore, #tpu.memory_space<semaphore_mem>>) src(%dma_wait3A_145 : memref<151936x2048xf32, #tpu.memory_space<hbm>>) dst(%arg9 : memref<8x2048xf32, #tpu.memory_space<vmem>>)
      %mul3A_146 = arith.constant 8 : i32
      %mul3A_147 = arith.muli %add3A_139, %mul3A_146 : i32
      %add3A_148 = arith.addi %mul3A_2, %mul3A_147 : i32
      %dma_start3A_149 = arith.constant 0 : i32
      %dma_start3A_150 = tpu.memref_slice %arg4[%add3A_148, %dma_start3A_149] : memref<16384x2048xf32, #tpu.memory_space<hbm>> -> memref<8x2048xf32, #tpu.memory_space<hbm>>
      %dma_start3A_151 = arith.constant 0 : i32
      %dma_start3A_152 = tpu.memref_slice %arg4[%add3A_148, %dma_start3A_151] : memref<16384x2048xf32, #tpu.memory_space<hbm>> -> memref<8x2048xf32, #tpu.memory_space<hbm>>
      tpu.enqueue_dma source(%arg9 : memref<8x2048xf32, #tpu.memory_space<vmem>>) target(%dma_start3A_152 : memref<8x2048xf32, #tpu.memory_space<hbm>>) target_semaphore(%arg17 : memref<!tpu.dma_semaphore, #tpu.memory_space<semaphore_mem>>)
      %add3A_153 = arith.constant 4 : i32
      %add3A_154 = arith.addi %add3A_139, %add3A_153 : i32
      %sub3A_155 = arith.constant 2 : i32
      %sub3A_156 = arith.subi %add3A_154, %sub3A_155 : i32
      %lt3A_157 = arith.constant 64 : i32
      %lt3A_158 = arith.cmpi slt, %sub3A_156, %lt3A_157 : i32
      %ge3A_159 = arith.constant 2 : i32
      %ge3A_160 = arith.cmpi sge, %add3A_139, %ge3A_159 : i32
      %and3A_161 = arith.andi %lt3A_158, %ge3A_160 : i1
      %convert_element_type3A_162 = arith.extui %and3A_161 : i1 to i32
      %cond3A_163 = arith.constant 0 : i32
      %cond3A_164 = arith.cmpi ne, %convert_element_type3A_162, %cond3A_163 : i32
      scf.if %cond3A_164 {
        %sub3A_170 = arith.constant 2 : i32
        %sub3A_171 = arith.subi %add3A_139, %sub3A_170 : i32
        %mul3A_172 = arith.constant 8 : i32
        %mul3A_173 = arith.muli %sub3A_171, %mul3A_172 : i32
        %add3A_174 = arith.addi %mul3A_2, %mul3A_173 : i32
        %dma_wait3A_175 = arith.constant 0 : i32
        %dma_wait3A_176 = tpu.memref_slice %arg4[%add3A_174, %dma_wait3A_175] : memref<16384x2048xf32, #tpu.memory_space<hbm>> -> memref<8x2048xf32, #tpu.memory_space<hbm>>
        %dma_wait3A_177 = arith.constant 0 : i32
        %dma_wait3A_178 = tpu.memref_slice %arg4[%add3A_174, %dma_wait3A_177] : memref<16384x2048xf32, #tpu.memory_space<hbm>> -> memref<8x2048xf32, #tpu.memory_space<hbm>>
        tpu.wait_dma2 semaphore(%arg15 : memref<!tpu.dma_semaphore, #tpu.memory_space<semaphore_mem>>) src(%arg7 : memref<8x2048xf32, #tpu.memory_space<vmem>>) dst(%dma_wait3A_178 : memref<8x2048xf32, #tpu.memory_space<hbm>>)
      } else {
      }
      %lt3A_165 = arith.constant 64 : i32
      %lt3A_166 = arith.cmpi slt, %sub3A_156, %lt3A_165 : i32
      %convert_element_type3A_167 = arith.extui %lt3A_166 : i1 to i32
      %cond3A_168 = arith.constant 0 : i32
      %cond3A_169 = arith.cmpi ne, %convert_element_type3A_167, %cond3A_168 : i32
      scf.if %cond3A_169 {
        %dma_start3A_170 = arith.constant 0 : i32
        %dma_start3A_171 = tpu.memref_slice %arg5[%sub3A_156, %dma_start3A_170] : memref<64x8xi32, #tpu.memory_space<vmem>> -> memref<1x8xi32, #tpu.memory_space<vmem>>
        %dma_start3A_172 = tpu.memref_squeeze %dma_start3A_171 : memref<1x8xi32, #tpu.memory_space<vmem>> -> memref<8xi32, #tpu.memory_space<vmem>>
        %dma_start3A_173 = arith.constant 0 : i32
        %dma_start3A_174 = arith.constant 0 : i32
        %dma_start3A_175 = tpu.memref_slice %arg2[%dma_start3A_173, %dma_start3A_174] : memref<151936x2048xf32, #tpu.memory_space<hbm>> -> memref<151936x2048xf32, #tpu.memory_space<hbm>>
        tpu.enqueue_indirect_dma source(%dma_start3A_175 : memref<151936x2048xf32, #tpu.memory_space<hbm>>) target(%arg7 : memref<8x2048xf32, #tpu.memory_space<vmem>>) offsets(%dma_start3A_172 : memref<8xi32, #tpu.memory_space<vmem>>) semaphore(%arg11 : memref<!tpu.dma_semaphore, #tpu.memory_space<semaphore_mem>>)
      } else {
      }
    }
    %scan3A_19 = arith.constant 16 : i32
    %add3A_20 = arith.constant 480 : i32
    %add3A_21 = arith.addi %mul3A_2, %add3A_20 : i32
    %dma_wait3A = arith.constant 0 : i32
    %dma_wait3A_22 = tpu.memref_slice %arg4[%add3A_21, %dma_wait3A] : memref<16384x2048xf32, #tpu.memory_space<hbm>> -> memref<8x2048xf32, #tpu.memory_space<hbm>>
    %dma_wait3A_23 = arith.constant 0 : i32
    %dma_wait3A_24 = tpu.memref_slice %arg4[%add3A_21, %dma_wait3A_23] : memref<16384x2048xf32, #tpu.memory_space<hbm>> -> memref<8x2048xf32, #tpu.memory_space<hbm>>
    tpu.wait_dma2 semaphore(%arg14 : memref<!tpu.dma_semaphore, #tpu.memory_space<semaphore_mem>>) src(%arg6 : memref<8x2048xf32, #tpu.memory_space<vmem>>) dst(%dma_wait3A_24 : memref<8x2048xf32, #tpu.memory_space<hbm>>)
    %add3A_25 = arith.constant 488 : i32
    %add3A_26 = arith.addi %mul3A_2, %add3A_25 : i32
    %dma_wait3A_27 = arith.constant 0 : i32
    %dma_wait3A_28 = tpu.memref_slice %arg4[%add3A_26, %dma_wait3A_27] : memref<16384x2048xf32, #tpu.memory_space<hbm>> -> memref<8x2048xf32, #tpu.memory_space<hbm>>
    %dma_wait3A_29 = arith.constant 0 : i32
    %dma_wait3A_30 = tpu.memref_slice %arg4[%add3A_26, %dma_wait3A_29] : memref<16384x2048xf32, #tpu.memory_space<hbm>> -> memref<8x2048xf32, #tpu.memory_space<hbm>>
    tpu.wait_dma2 semaphore(%arg15 : memref<!tpu.dma_semaphore, #tpu.memory_space<semaphore_mem>>) src(%arg7 : memref<8x2048xf32, #tpu.memory_space<vmem>>) dst(%dma_wait3A_30 : memref<8x2048xf32, #tpu.memory_space<hbm>>)
    %add3A_31 = arith.constant 496 : i32
    %add3A_32 = arith.addi %mul3A_2, %add3A_31 : i32
    %dma_wait3A_33 = arith.constant 0 : i32
    %dma_wait3A_34 = tpu.memref_slice %arg4[%add3A_32, %dma_wait3A_33] : memref<16384x2048xf32, #tpu.memory_space<hbm>> -> memref<8x2048xf32, #tpu.memory_space<hbm>>
    %dma_wait3A_35 = arith.constant 0 : i32
    %dma_wait3A_36 = tpu.memref_slice %arg4[%add3A_32, %dma_wait3A_35] : memref<16384x2048xf32, #tpu.memory_space<hbm>> -> memref<8x2048xf32, #tpu.memory_space<hbm>>
    tpu.wait_dma2 semaphore(%arg16 : memref<!tpu.dma_semaphore, #tpu.memory_space<semaphore_mem>>) src(%arg8 : memref<8x2048xf32, #tpu.memory_space<vmem>>) dst(%dma_wait3A_36 : memref<8x2048xf32, #tpu.memory_space<hbm>>)
    %add3A_37 = arith.constant 504 : i32
    %add3A_38 = arith.addi %mul3A_2, %add3A_37 : i32
    %dma_wait3A_39 = arith.constant 0 : i32
    %dma_wait3A_40 = tpu.memref_slice %arg4[%add3A_38, %dma_wait3A_39] : memref<16384x2048xf32, #tpu.memory_space<hbm>> -> memref<8x2048xf32, #tpu.memory_space<hbm>>
    %dma_wait3A_41 = arith.constant 0 : i32
    %dma_wait3A_42 = tpu.memref_slice %arg4[%add3A_38, %dma_wait3A_41] : memref<16384x2048xf32, #tpu.memory_space<hbm>> -> memref<8x2048xf32, #tpu.memory_space<hbm>>
    tpu.wait_dma2 semaphore(%arg17 : memref<!tpu.dma_semaphore, #tpu.memory_space<semaphore_mem>>) src(%arg9 : memref<8x2048xf32, #tpu.memory_space<vmem>>) dst(%dma_wait3A_42 : memref<8x2048xf32, #tpu.memory_space<hbm>>)
    return
  }
}

</mosaic_0001>

<sc_bundles>
// kernel: kernel.3.cloned.1.call-start
scs
__scs_entry_jumppad:
0x0: {  	(pc) =	sbr.rel $0x88, $3  }
0x1: {  	(tag) =	ssettag $0x0;
	lr =	simm.s32 $0x1  }
0x2: {  	[smem:$0x3F9F] =	sst lr;
	_ =	strace $0xD0000000  }
0x3: {  	_ = 	snop  }
0x4: {  	_ = 	snop  }
0x5: {  	_ = 	snop  }
0x6: {  	_ = 	snop  }
0x7: {  	_ = 	snop  }
__scs_overlays_trampoline_lowered:
0x8: {  	[smem:$0x3FAE] =	sst s0  }
0x9: {  	[smem:$0x3FAF] =	sst s1  }
0xa: {  	[smem:$0x3FB0] =	sst s2  }
0xb: {  	[smem:$0x3FB1] =	sst s3  }
0xc: {  	[smem:$0x3FB2] =	sst s4  }
0xd: {  	[smem:$0x3FB3] =	sst s5  }
0xe: {  	[smem:$0x3FB4] =	sst s6  }
0xf: {  	[smem:$0x3FB5] =	sst s7  }
0x10: {  	[smem:$0x3FB6] =	sst s8  }
0x11: {  	[smem:$0x3FB7] =	sst s9;
	s0 =	simm.s32 @!p0 $0x0  }
0x12: {  	s1 =	sld [smem:$0x3F9D];
	s0 =	simm.s32 @p0 $0x1  }
0x13: {  	[smem:$0x3FB8] =	sst s0;
	s0 =	simm.s32 @!p1 $0x0  }
0x14: {  	s2 =	sld [smem:$0x3F9C];
	s0 =	simm.s32 @p1 $0x1  }
0x15: {  	[smem:$0x3FB9] =	sst s0;
	s0 =	simm.s32 @!p2 $0x0  }
0x16: {  	s3 =	sld [smem:$0x3FDB];
	s0 =	simm.s32 @p2 $0x1  }
0x17: {  	s4 =	simm.s32 $0x1BF5;
	[smem:$0x3FBB] =	sst s0  }
0x18: {  	s0 =	sld [smem:$0x3F9E];
	_ =	swait.ge [sflag:s4], $0x0  }
0x19: {  	s7 =	sld [smem:$0x3F9F]  }
0x1a: {  	s8 =	sadd.s32 $0xFFFFE003, lr  }
0x1b: {  	s9 =	sadd.s32 $0xFFFFFEF7, lr;
	s5 =	simm.s32 $0xFFFFFFFF;
	p2 =	slt.u32 s8, $0xFFFFF086  }
0x1c: {  	p1 =	slt.u32 s9, $0xF7A;
	s5 =	simm.s32 @!p2 $0x0  }
0x1d: {  	s5 =	simm.s32 @p1 $0x1;
	p0 =	seq.s32 s7, s2  }
0x1e: {  	s7 =	smul.u32 @!p0 $0xF7A, s2;
	p2 =	seq.s32 @!p0 s5, $0x0  }
0x1f: {  	s9 =	smul.u32 $0xF7A, s1;
	s8 =	simm.s32 @!p0 $0x1BF5;
	p2 =	por !p2, p0  }
0x20: {  	[sflag:s8] =	ssyncset.s32 @!p0 $0xFFFFF086;
	s6 =	sadd.s32 @!p0 s3, s7;
	s7 =	simm.s32 @!p0 $0x108  }
0x21: {  	s3 =	sadd.s32 s3, s9;
	s6 =	sadd.s32 @!p0 $0x88, s6;
	s7 =	simm.s32 @p2 $0x1082  }
0x22: {  	[simem:s7], [sflag:s8] =	dma.local @!p0 [hbm:s6], $0xF7A  }
0x23: {  	s9 =	sor.u32 $0xD0000000, s2;
	s6 =	simm.s32 $0x108;
	_ =	swait.ge @!p0 [sflag:s8], $0x0  }
0x24: {  	s3 =	sadd.s32 $0x88, s3;
	s6 =	simm.s32 @!p1 $0x1082;
	[sflag:s4] =	ssyncset.s32 $0xFFFFF086  }
0x25: {  	[simem:s6], [sflag:s4] =	dma.local [hbm:s3], $0xF7A  }
0x26: {  	[smem:$0x3F9F] =	sst s1;
	(tag) =	ssettag s2;
	_ =	strace s9  }
0x27: {  	s1 =	sld [smem:$0x3FAF]  }
0x28: {  	s2 =	sld [smem:$0x3FB0]  }
0x29: {  	s4 =	sld [smem:$0x3FB2]  }
0x2a: {  	p0 =	seq.s32 s5, $0x0;
	s5 =	sld [smem:$0x3FB3]  }
0x2b: {  	s6 =	sld [smem:$0x3FB4]  }
0x2c: {  	s7 =	sld [smem:$0x3FB5]  }
0x2d: {  	s3 =	simm.s32 $0x108;
	s8 =	sld [smem:$0x3FB6]  }
0x2e: {  	s3 =	simm.s32 @!p0 $0x1082;
	s9 =	sld [smem:$0x3FB7]  }
0x2f: {  	lr =	sadd.s32 s0, s3;
	s0 =	sld [smem:$0x3FAE]  }
0x30: {  	s3 =	sld [smem:$0x3FB1]  }
0x31: {  	[smem:$0x3FBA] =	sst s10  }
0x32: {  	s10 =	sld [smem:$0x3FB8];
	_ =	sdelay $0x3  }
0x33: {  	p0 =	seq.s32 s10, $0x1;
	s10 =	sld [smem:$0x3FBA];
	_ =	sdelay $0x3  }
0x34: {  	[smem:$0x3FBA] =	sst s10  }
0x35: {  	s10 =	sld [smem:$0x3FB9];
	_ =	sdelay $0x3  }
0x36: {  	p1 =	seq.s32 s10, $0x1;
	s10 =	sld [smem:$0x3FBA];
	_ =	sdelay $0x3  }
0x37: {  	[smem:$0x3FBA] =	sst s10  }
0x38: {  	s10 =	sld [smem:$0x3FBB]  }
0x39: {  	_ = 	snop;
	(pc) =	sbr.ind lr, $3  }
0x3a: {  	_ = 	snop  }
0x3b: {  	_ = 	snop  }
0x3c: {  	p2 =	seq.s32 s10, $0x1;
	s10 =	sld [smem:$0x3FBA]  }
0x3d: {  	_ =	shalt  }
0x3e: {  	_ =	shalt  }
0x3f: {  	_ =	shalt  }
0x40: {  	_ =	shalt  }
0x41: {  	_ =	shalt  }
0x42: {  	_ =	shalt  }
0x43: {  	_ =	shalt  }
0x44: {  	_ =	shalt  }
0x45: {  	_ =	shalt  }
0x46: {  	_ =	shalt  }
0x47: {  	_ =	shalt  }
0x48: {  	_ =	shalt  }
0x49: {  	_ =	shalt  }
0x4a: {  	_ =	shalt  }
0x4b: {  	_ =	shalt  }
0x4c: {  	_ =	shalt  }
0x4d: {  	_ =	shalt  }
0x4e: {  	_ =	shalt  }
0x4f: {  	_ =	shalt  }
0x50: {  	_ =	shalt  }
0x51: {  	_ =	shalt  }
0x52: {  	_ =	shalt  }
0x53: {  	_ =	shalt  }
0x54: {  	_ =	shalt  }
0x55: {  	_ =	shalt  }
0x56: {  	_ =	shalt  }
0x57: {  	_ =	shalt  }
0x58: {  	_ =	shalt  }
0x59: {  	_ =	shalt  }
0x5a: {  	_ =	shalt  }
0x5b: {  	_ =	shalt  }
0x5c: {  	_ =	shalt  }
0x5d: {  	_ =	shalt  }
0x5e: {  	_ =	shalt  }
0x5f: {  	_ =	shalt  }
0x60: {  	_ =	shalt  }
0x61: {  	_ =	shalt  }
0x62: {  	_ =	shalt  }
0x63: {  	_ =	shalt  }
0x64: {  	_ =	shalt  }
0x65: {  	_ =	shalt  }
0x66: {  	_ =	shalt  }
0x67: {  	_ =	shalt  }
0x68: {  	_ =	shalt  }
0x69: {  	_ =	shalt  }
0x6a: {  	_ =	shalt  }
0x6b: {  	_ =	shalt  }
0x6c: {  	_ =	shalt  }
0x6d: {  	_ =	shalt  }
0x6e: {  	_ =	shalt  }
0x6f: {  	_ =	shalt  }
0x70: {  	_ =	shalt  }
0x71: {  	_ =	shalt  }
0x72: {  	_ =	shalt  }
0x73: {  	_ =	shalt  }
0x74: {  	_ =	shalt  }
0x75: {  	_ =	shalt  }
0x76: {  	_ =	shalt  }
0x77: {  	_ =	shalt  }
0x78: {  	_ =	shalt  }
0x79: {  	_ =	shalt  }
0x7a: {  	_ =	shalt  }
0x7b: {  	_ =	shalt  }
0x7c: {  	_ =	shalt  }
0x7d: {  	_ =	shalt  }
0x7e: {  	_ =	shalt  }
0x7f: {  	_ =	shalt  }
0x80: {  	_ =	shalt  }
0x81: {  	_ =	shalt  }
0x82: {  	_ =	shalt  }
0x83: {  	_ =	shalt  }
0x84: {  	_ =	shalt  }
0x85: {  	_ =	shalt  }
0x86: {  	_ =	shalt  }
0x87: {  	_ =	shalt  }
.Lfunc_end0:
.L_simem_size_0:
called_computation_lowered:
.L_overlay_start_0:
0x88: {  	s2 =	sld [smem:$0x3FD9]  }
0x89: {  	s3 =	sld [smem:$0x3FFE];
	_ =	sdelay $0x1  }
0x8a: {  	s1 =	srdreg.scid  }
0x8b: {  	s0 =	sand.u32 $0x1, s1  }
0x8c: {  	s17 =	sshll.u32 s0, $0xA;
	s2 =	sadd.s32 s3, s2  }
0x8d: {  	s2 =	sadd.s32 s2, s17  }
0x8e: {  	[smem:$0x3FC6] =	sst s2  }
0x8f: {  	_ = 	snop  }
0x90: {  	s2 =	sld [smem:$0x3FC8]  }
0x91: {  	s18 =	sld [smem:$0x3FD0];
	(tm) =	ssettm $0x1  }
0x92: {  	s4 =	sld [smem:$0x3FFB];
	_ =	sdelay $0x3  }
0x93: {  	_ =	strace s4  }
0x94: {  	s4 =	sld [smem:$0x3FFC];
	_ =	sdelay $0x3  }
0x95: {  	_ =	strace s4  }
0x96: {  	s4 =	sld [smem:$0x3FFD];
	_ =	sdelay $0x3  }
0x97: {  	_ =	strace s4  }
0x98: {  	_ =	strace $0x8FFFFFFF  }
0x99: {  	s19 =	sld [smem:$0x3FDB];
	_ =	sdelay $0x1  }
0x9a: {  	s5 =	simm.s32 $_scs_section_size  }
0x9b: {  	s6 =	simm.s32 $_size__tile_overlayer_lowered;
	s7 =	simm.s32 $_tile_overlayer_lowered  }
0x9c: {  	s22 =	simm.s32 $0x1BFF;
	s21 =	sshll.u32 s7, $0x1;
	s4 =	sadd.s32 s5, s19  }
0x9d: {  	s8 =	simm.s32 $0x0;
	s20 =	sshll.u32 s6, $0x1;
	s6 =	sadd.s32 s21, s4  }
0x9e: {  	[timem:s8], [sflag:s22] =	dma.local [hbm:s6], s20  }
0x9f: {  	_ =	swait.ge [sflag:s22], s20  }
0xa0: {  	s5 =	ssub.s32 $0x0, s20;
	[sflag:s22] =	ssyncset.done $0x0  }
0xa1: {  	[sflag:s22] =	ssyncadd.s32 s5;
	_ =	sdelay $0x1  }
0xa2: {  	s23 =	simm.s32 $0x1B8B  }
0xa3: {  	_ =	swait.ge [sflag:s23], $0x1  }
0xa4: {  	[sflag:s23] =	ssyncset.done $0x0  }
0xa5: {  	s25 =	simm.s32 $0x1B8E;
	s24 =	sld [smem:$0x3FFE];
	[sflag:s23] =	ssyncadd.s32 $0xFFFFFFFF  }
0xa6: {  	s26 =	simm.s32 $execute0_lowered;
	[smem:$0x3FD2] =	sst s25  }
0xa7: {  	s6 =	sshll.u32 s26, $0x1;
	_ =	strace $0x80000046;
	[dreg:$0x1] =	wrdreg $0xFFFFFFFF  }
0xa8: {  	s28 =	simm.s32 $_size_execute0_lowered;
	s4 =	sadd.s32 s4, s6;
	[dreg:$0x0] =	wrdreg $0x0  }
0xa9: {  	s6 =	sshll.u32 s28, $0x1;
	[dreg:$0x2] =	wrdreg s4  }
0xaa: {  	[dreg:$0x3] =	wrdreg s6  }
0xab: {  	[dreg:$0x4] =	wrdreg $0xC0  }
0xac: {  	_ =	task [dreg:s8], $0x5FFFF  }
0xad: {  	[dreg:$0x1] =	wrdreg $0xFFFFFFFF  }
0xae: {  	[dreg:$0x0] =	wrdreg $0x60  }
0xaf: {  	[dreg:$0x2] =	wrdreg s2  }
0xb0: {  	[dreg:$0x3] =	wrdreg s24  }
0xb1: {  	[dreg:$0x4] =	wrdreg s18  }
0xb2: {  	[dreg:$0x5] =	wrdreg $0x9  }
0xb3: {  	_ =	task.clear_ibuf [dreg:s8], $0x6FFFF;
	_ =	strace $0x90000046  }
0xb4: {  	s29 =	simm.s32 $0x9;
	_ =	strace $0x80000048  }
0xb5: {  	_ =	swait.ge [sflag:s29], $0x1  }
0xb6: {  	[sflag:s29] =	ssyncadd.s32 $0xFFFFFFFF  }
0xb7: {  	_ =	strace $0x90000048  }
0xb8: {  	_ =	sfence  }
0xb9: {  	s30 =	sld [smem:$0x0];
	_ =	sdelay $0x2  }
0xba: {  	s31 =	sshll.u32 s1, $0xD;
	s1 =	sshrl.u32 s1, $0x2  }
0xbb: {  	s3 =	sand.u32 $0x4000, s31;
	s1 =	sadd.s32 s1, s30  }
0xbc: {  	s0 =	sor.u32 s3, s0;
	s1 =	sshll.u32 s1, $0x11  }
0xbd: {  	s0 =	sor.u32 s1, s0  }
0xbe: {  	s0 =	sadd.s32 $0x8F2B, s0  }
0xbf: {  	[sflag:s0] =	ssyncadd.remote.s32 $0x1  }
0xc0: {  	_ =	sfence.sel $0xFFFF  }
0xc1: {  	[dreg:$0x0] =	wrdreg $0xFFFFFFFF;
	(pc) =	sbr.abs _section_cstart, $3  }
0xc2: {  	[dreg:$0x1] =	wrdreg $0xFFFFFFFF  }
0xc3: {  	_ =	task.clear_ibuf [dreg:s8], $0x2FFFF;
	_ =	strace $0x9FFFFFFF  }
0xc4: {  	(tm) =	ssettm $0x7FFFFFFF  }
0xc5: {  	_ =	shalt  }
tec
execute0_lowered:
.L_overlay_start_1:
0x0: {  	(tag) =	ssettag $0x1  }
0x1: {  	s1 =	rddreg [dreg:$0x0]  }
0x2: {  	s0 =	rddreg [dreg:$0x1];
	s2 =	srdreg.scid  }
0x3: {  	s14 =	stileid.u32;
	s4 =	rddreg [dreg:$0x2];
	s16 =	simm.s32 $0x2000  }
0x4: {  	s21 =	simm.s32 $0x2;
	s22 =	simm.s32 $0xE000;
	s28 =	simm.s32 $0x10000  }
0x5: {  	s29 =	simm.s32 $0x10800;
	s30 =	simm.s32 $0x11000;
	s31 =	simm.s32 $0x11800  }
0x6: {  	s15 =	simm.s32 $0x6;
	s19 =	simm.s32 $0x0;
	s2 =	sand.u32 $0x1, s2  }
0x7: {  	s3 =	sshll.u32 s14, $0x1;
	s7 =	sadd.s32 $0x300, s1;
	s8 =	sadd.s32 $0x400, s1  }
0x8: {  	s9 =	sadd.s32 $0x500, s1;
	s10 =	sadd.s32 $0x600, s1;
	s11 =	sadd.s32 $0x700, s1  }
0x9: {  	s25 =	sshll.u32 s14, $0x12;
	s12 =	sor.u32 s2, s3;
	s3 =	simm.s32 $0x0  }
0xa: {  	s6 =	ssub.s32 $0x2, s2;
	s2 =	sshll.u32 s2, $0x11;
	s5 =	sshll.u32 s12, $0xA  }
0xb: {  	[smem:$0x7FF] =	sst s3;
	s23 =	sshrl.u32 s6, $0x1;
	s24 =	sshll.u32 s12, $0x11  }
0xc: {  	s12 =	simm.s32 $0x4;
	s0 =	sadd.s32 s5, s0;
	_ =	strace $0x80000047  }
0xd: {  	s13 =	ssub.s32 s6, s23;
	s5 =	sadd.s32 $0x100, s1;
	s6 =	sadd.s32 $0x200, s1  }
0xe: {  	s23 =	simm.s32 $0xE800;
	s0 =	sadd.s32 $0x400, s0;
	s26 =	smax.u32 s13, $0x1  }
.Ltmp0:
0xf: {  	s13 =	simm.s32 $0x5;
	[dreg:$0x4] =	wrdreg s0;
	(pc) =	sbr.rel .LBB2_1-.Ltmp0, $4  }
0x10: {  	s0 =	sadd.s32 s24, s4;
	s4 =	sadd.s32 s25, s4;
	[dreg:$0x6] =	wrdreg s26  }
0x11: {  	v0 =	vlaneseq.u32;
	s24 =	simm.s32 $0x6000;
	s25 =	simm.s32 $0xF000;
	s26 =	simm.s32 $0xF800  }
0x12: {  	v1 =	vshrl.u32 v0, $0x3;
	s0 =	sadd.s32 $0x1F800, s0;
	s14 =	sadd.s32 s2, s4;
	s4 =	simm.s32 $0xA000  }
0x13: {  	vm0 =	vmmov $0xffff;
	v0 =	vand.u32 $0x7, v0;
	v1 =	vmul.u32 $0x8, v1;
	s2 =	simm.s32 $0x3;
	[dreg:$0x5] =	wrdreg s0;
	s0 =	simm.s32 $0x1  }
.LBB2_4:
0x14: {  	_ =	swait.ge [sflag:s12], $0x4000  }
0x15: {  	[sflag:s12] =	ssyncset.done $0x0  }
0x16: {  	s17 =	rddreg [dreg:$0x5];
	[sflag:s12] =	ssyncadd.s32 $0xFFFFC000  }
0x17: {  	[hbm4b:s17+s3] =	stream.linear.scatter [tilespmem:s22], [sflag:$0x8], $0x4000, $0x38;
	[tilespmem:$0x12000] =	vst v63  }
0x18: {  	_ =	swait.ge [sflag:s13], $0x4000  }
0x19: {  	[sflag:s13] =	ssyncset.done $0x0  }
0x1a: {  	[sflag:s13] =	ssyncadd.s32 $0xFFFFC000  }
0x1b: {  	_ =	swait.ge [sflag:s15], $0x4000  }
0x1c: {  	[sflag:s15] =	ssyncset.done $0x0  }
0x1d: {  	s19 =	simm.s32 $0x7;
	[sflag:s15] =	ssyncadd.s32 $0xFFFFC000  }
0x1e: {  	_ =	swait.ge [sflag:s19], $0x4000  }
0x1f: {  	[sflag:s19] =	ssyncset.done $0x0  }
0x20: {  	s18 =	simm.s32 $0x8;
	[sflag:s19] =	ssyncadd.s32 $0xFFFFC000  }
0x21: {  	_ =	swait.ge [sflag:s18], $0x4000  }
0x22: {  	s19 =	rddreg [dreg:$0x7]  }
0x23: {  	s20 =	rddreg [dreg:$0x6];
	s19 =	sadd.s32 $0x1, s19  }
0x24: {  	p0 =	sne.s32 s19, s20  }
.Ltmp1:
0x25: {  	_ = 	snop;
	(pc) =	sbr.rel @!p0 .LBB2_5-.Ltmp1, $3  }
0x26: {  	_ =	sdelay $0x1  }
0x27: {  	[sflag:s18] =	ssyncset.done $0x0  }
0x28: {  	[sflag:s18] =	ssyncadd.s32 $0xFFFFC000  }
.LBB2_1:
0x29: {  	[dreg:$0x7] =	wrdreg s19  }
0x2a: {  	s17 =	rddreg [dreg:$0x4];
	s18 =	simm.s32 $0x9  }
0x2b: {  	[tilespmem:s3], [sflag:$0x9] =	stream.linear.gather [hbm4b:s17+s3], $0x2000, $0x38;
	[tilespmem:$0x12000] =	vst v63  }
0x2c: {  	_ =	swait.ge [sflag:s18], $0x2000  }
0x2d: {  	[sflag:s18] =	ssyncset.done $0x0  }
0x2e: {  	[sflag:s18] =	ssyncadd.s32 $0xFFFFE000  }
0x2f: {  	v2 =	vld.msk [tilespmem:$0x0], $0xff;
	_ =	sdelay $0x4  }
0x30: {  	v3 =	vshll.u32 v2, $0x4  }
0x31: {  	v2 =	vand.u32 $0x7, v2;
	v3 =	vand.u32 $0xFFFFFF80, v3  }
0x32: {  	v2 =	vor.u32 v2, v3  }
0x33: {  	v2 =	vperm.xlane v2, v0;
	_ =	sdelay $0x1  }
0x34: {  	v2 =	vadd.s32 v1, v2;
	_ =	sdelay $0x4  }
0x35: {  	[tilespmem:s16], [sflag:$0x1] =	stream.indirect_vreg.gather [hbm4b:s1+s3], $0x80, v2, vm0, $0xb8;
	[tilespmem:$0x12000] =	vst v63  }
0x36: {  	s19 =	simm.s32 $0x2800  }
0x37: {  	[tilespmem:s19], [sflag:$0x1] =	stream.indirect_vreg.gather [hbm4b:s5+s3], $0x80, v2, vm0, $0xb8;
	[tilespmem:$0x12000] =	vst v63  }
0x38: {  	s20 =	simm.s32 $0x3000  }
0x39: {  	[tilespmem:s20], [sflag:$0x1] =	stream.indirect_vreg.gather [hbm4b:s6+s3], $0x80, v2, vm0, $0xb8;
	[tilespmem:$0x12000] =	vst v63  }
0x3a: {  	s18 =	simm.s32 $0x3800  }
0x3b: {  	[tilespmem:s18], [sflag:$0x1] =	stream.indirect_vreg.gather [hbm4b:s7+s3], $0x80, v2, vm0, $0xb8;
	[tilespmem:$0x12000] =	vst v63  }
0x3c: {  	s19 =	simm.s32 $0x4000  }
0x3d: {  	[tilespmem:s19], [sflag:$0x1] =	stream.indirect_vreg.gather [hbm4b:s8+s3], $0x80, v2, vm0, $0xb8;
	[tilespmem:$0x12000] =	vst v63  }
0x3e: {  	s20 =	simm.s32 $0x4800  }
0x3f: {  	[tilespmem:s20], [sflag:$0x1] =	stream.indirect_vreg.gather [hbm4b:s9+s3], $0x80, v2, vm0, $0xb8;
	[tilespmem:$0x12000] =	vst v63  }
0x40: {  	s18 =	simm.s32 $0x5000  }
0x41: {  	[tilespmem:s18], [sflag:$0x1] =	stream.indirect_vreg.gather [hbm4b:s10+s3], $0x80, v2, vm0, $0xb8;
	[tilespmem:$0x12000] =	vst v63  }
0x42: {  	s19 =	simm.s32 $0x5800  }
0x43: {  	[tilespmem:s19], [sflag:$0x1] =	stream.indirect_vreg.gather [hbm4b:s11+s3], $0x80, v2, vm0, $0xb8;
	[tilespmem:$0x12000] =	vst v63  }
0x44: {  	v2 =	vld.msk [tilespmem:$0x80], $0xff;
	_ =	sdelay $0x4  }
0x45: {  	v3 =	vshll.u32 v2, $0x4  }
0x46: {  	v2 =	vand.u32 $0x7, v2;
	v3 =	vand.u32 $0xFFFFFF80, v3  }
0x47: {  	v2 =	vor.u32 v2, v3  }
0x48: {  	v2 =	vperm.xlane v2, v0;
	_ =	sdelay $0x1  }
0x49: {  	v2 =	vadd.s32 v1, v2;
	_ =	sdelay $0x4  }
0x4a: {  	[tilespmem:s24], [sflag:$0x2] =	stream.indirect_vreg.gather [hbm4b:s1+s3], $0x80, v2, vm0, $0xb8;
	[tilespmem:$0x12000] =	vst v63  }
0x4b: {  	s20 =	simm.s32 $0x6800  }
0x4c: {  	[tilespmem:s20], [sflag:$0x2] =	stream.indirect_vreg.gather [hbm4b:s5+s3], $0x80, v2, vm0, $0xb8;
	[tilespmem:$0x12000] =	vst v63  }
0x4d: {  	s18 =	simm.s32 $0x7000  }
0x4e: {  	[tilespmem:s18], [sflag:$0x2] =	stream.indirect_vreg.gather [hbm4b:s6+s3], $0x80, v2, vm0, $0xb8;
	[tilespmem:$0x12000] =	vst v63  }
0x4f: {  	s19 =	simm.s32 $0x7800  }
0x50: {  	[tilespmem:s19], [sflag:$0x2] =	stream.indirect_vreg.gather [hbm4b:s7+s3], $0x80, v2, vm0, $0xb8;
	[tilespmem:$0x12000] =	vst v63  }
0x51: {  	s20 =	simm.s32 $0x8000  }
0x52: {  	[tilespmem:s20], [sflag:$0x2] =	stream.indirect_vreg.gather [hbm4b:s8+s3], $0x80, v2, vm0, $0xb8;
	[tilespmem:$0x12000] =	vst v63  }
0x53: {  	s18 =	simm.s32 $0x8800  }
0x54: {  	[tilespmem:s18], [sflag:$0x2] =	stream.indirect_vreg.gather [hbm4b:s9+s3], $0x80, v2, vm0, $0xb8;
	[tilespmem:$0x12000] =	vst v63  }
0x55: {  	s19 =	simm.s32 $0x9000  }
0x56: {  	[tilespmem:s19], [sflag:$0x2] =	stream.indirect_vreg.gather [hbm4b:s10+s3], $0x80, v2, vm0, $0xb8;
	[tilespmem:$0x12000] =	vst v63  }
0x57: {  	s17 =	simm.s32 $0x180;
	s20 =	simm.s32 $0x9800;
	s18 =	simm.s32 $0x0  }
0x58: {  	[tilespmem:s20], [sflag:$0x2] =	stream.indirect_vreg.gather [hbm4b:s11+s3], $0x80, v2, vm0, $0xb8;
	[tilespmem:$0x12000] =	vst v63  }
.LBB2_2:
0x59: {  	_ =	swait.ge [sflag:s0], $0x4000  }
0x5a: {  	p0 =	seq.s32 s18, $0x0;
	[sflag:s0] =	ssyncset.done $0x0  }
0x5b: {  	s19 =	sadd.s32 s18, s14;
	s20 =	simm.s32 @!p0 $0x7;
	[sflag:s0] =	ssyncadd.s32 $0xFFFFC000  }
0x5c: {  	[hbm4b:s19+s3] =	stream.linear.scatter [tilespmem:s16], [sflag:$0x5], $0x4000, $0x38;
	[tilespmem:$0x12000] =	vst v63  }
0x5d: {  	_ =	swait.ge @!p0 [sflag:s20], $0x4000  }
0x5e: {  	[sflag:s20] =	ssyncset.done @!p0 $0x0  }
0x5f: {  	[sflag:s20] =	ssyncadd.s32 @!p0 $0xFFFFC000  }
0x60: {  	v2 =	vld.msk [tilespmem:s17+$0xFFFFFF80], $0xff;
	_ =	sdelay $0x4  }
0x61: {  	v3 =	vshll.u32 v2, $0x4  }
0x62: {  	v2 =	vand.u32 $0x7, v2;
	v3 =	vand.u32 $0xFFFFFF80, v3  }
0x63: {  	v2 =	vor.u32 v2, v3  }
0x64: {  	v2 =	vperm.xlane v2, v0;
	_ =	sdelay $0x1  }
0x65: {  	v2 =	vadd.s32 v1, v2;
	_ =	sdelay $0x4  }
0x66: {  	[tilespmem:s4], [sflag:$0x3] =	stream.indirect_vreg.gather [hbm4b:s1+s3], $0x80, v2, vm0, $0xb8;
	[tilespmem:$0x12000] =	vst v63  }
0x67: {  	s20 =	simm.s32 $0xA800  }
0x68: {  	[tilespmem:s20], [sflag:$0x3] =	stream.indirect_vreg.gather [hbm4b:s5+s3], $0x80, v2, vm0, $0xb8;
	[tilespmem:$0x12000] =	vst v63  }
0x69: {  	s20 =	simm.s32 $0xB000  }
0x6a: {  	[tilespmem:s20], [sflag:$0x3] =	stream.indirect_vreg.gather [hbm4b:s6+s3], $0x80, v2, vm0, $0xb8;
	[tilespmem:$0x12000] =	vst v63  }
0x6b: {  	s20 =	simm.s32 $0xB800  }
0x6c: {  	[tilespmem:s20], [sflag:$0x3] =	stream.indirect_vreg.gather [hbm4b:s7+s3], $0x80, v2, vm0, $0xb8;
	[tilespmem:$0x12000] =	vst v63  }
0x6d: {  	s20 =	simm.s32 $0xC000  }
0x6e: {  	[tilespmem:s20], [sflag:$0x3] =	stream.indirect_vreg.gather [hbm4b:s8+s3], $0x80, v2, vm0, $0xb8;
	[tilespmem:$0x12000] =	vst v63  }
0x6f: {  	s20 =	simm.s32 $0xC800  }
0x70: {  	[tilespmem:s20], [sflag:$0x3] =	stream.indirect_vreg.gather [hbm4b:s9+s3], $0x80, v2, vm0, $0xb8;
	[tilespmem:$0x12000] =	vst v63  }
0x71: {  	s20 =	simm.s32 $0xD000  }
0x72: {  	[tilespmem:s20], [sflag:$0x3] =	stream.indirect_vreg.gather [hbm4b:s10+s3], $0x80, v2, vm0, $0xb8;
	[tilespmem:$0x12000] =	vst v63  }
0x73: {  	s20 =	simm.s32 $0xD800  }
0x74: {  	[tilespmem:s20], [sflag:$0x3] =	stream.indirect_vreg.gather [hbm4b:s11+s3], $0x80, v2, vm0, $0xb8;
	[tilespmem:$0x12000] =	vst v63  }
0x75: {  	_ =	swait.ge [sflag:s21], $0x4000  }
0x76: {  	[sflag:s21] =	ssyncset.done $0x0  }
0x77: {  	s20 =	sadd.s32 $0x800, s19;
	[sflag:s21] =	ssyncadd.s32 $0xFFFFC000  }
0x78: {  	[hbm4b:s20+s3] =	stream.linear.scatter [tilespmem:s24], [sflag:$0x6], $0x4000, $0x38;
	[tilespmem:$0x12000] =	vst v63  }
0x79: {  	s20 =	simm.s32 @!p0 $0x8  }
0x7a: {  	_ =	swait.ge @!p0 [sflag:s20], $0x4000  }
0x7b: {  	[sflag:s20] =	ssyncset.done @!p0 $0x0  }
0x7c: {  	[sflag:s20] =	ssyncadd.s32 @!p0 $0xFFFFC000  }
0x7d: {  	v2 =	vld.msk [tilespmem:s17+$0x0], $0xff;
	_ =	sdelay $0x4  }
0x7e: {  	v3 =	vshll.u32 v2, $0x4  }
0x7f: {  	v2 =	vand.u32 $0x7, v2;
	v3 =	vand.u32 $0xFFFFFF80, v3  }
0x80: {  	v2 =	vor.u32 v2, v3  }
0x81: {  	v2 =	vperm.xlane v2, v0;
	_ =	sdelay $0x1  }
0x82: {  	v2 =	vadd.s32 v1, v2;
	_ =	sdelay $0x4  }
0x83: {  	[tilespmem:s22], [sflag:$0x4] =	stream.indirect_vreg.gather [hbm4b:s1+s3], $0x80, v2, vm0, $0xb8;
	[tilespmem:$0x12000] =	vst v63  }
0x84: {  	_ = 	snop  }
0x85: {  	[tilespmem:s23], [sflag:$0x4] =	stream.indirect_vreg.gather [hbm4b:s5+s3], $0x80, v2, vm0, $0xb8;
	[tilespmem:$0x12000] =	vst v63  }
0x86: {  	_ = 	snop  }
0x87: {  	[tilespmem:s25], [sflag:$0x4] =	stream.indirect_vreg.gather [hbm4b:s6+s3], $0x80, v2, vm0, $0xb8;
	[tilespmem:$0x12000] =	vst v63  }
0x88: {  	_ = 	snop  }
0x89: {  	[tilespmem:s26], [sflag:$0x4] =	stream.indirect_vreg.gather [hbm4b:s7+s3], $0x80, v2, vm0, $0xb8;
	[tilespmem:$0x12000] =	vst v63  }
0x8a: {  	_ = 	snop  }
0x8b: {  	[tilespmem:s28], [sflag:$0x4] =	stream.indirect_vreg.gather [hbm4b:s8+s3], $0x80, v2, vm0, $0xb8;
	[tilespmem:$0x12000] =	vst v63  }
0x8c: {  	_ = 	snop  }
0x8d: {  	[tilespmem:s29], [sflag:$0x4] =	stream.indirect_vreg.gather [hbm4b:s9+s3], $0x80, v2, vm0, $0xb8;
	[tilespmem:$0x12000] =	vst v63  }
0x8e: {  	_ = 	snop  }
0x8f: {  	[tilespmem:s30], [sflag:$0x4] =	stream.indirect_vreg.gather [hbm4b:s10+s3], $0x80, v2, vm0, $0xb8;
	[tilespmem:$0x12000] =	vst v63  }
0x90: {  	p0 =	seq.s32 s18, $0x1E000  }
0x91: {  	[tilespmem:s31], [sflag:$0x4] =	stream.indirect_vreg.gather [hbm4b:s11+s3], $0x80, v2, vm0, $0xb8;
	[tilespmem:$0x12000] =	vst v63  }
.Ltmp2:
0x92: {  	_ = 	snop;
	(pc) =	sbr.rel @p0 .LBB2_4-.Ltmp2, $4  }
0x93: {  	_ =	swait.ge [sflag:s2], $0x4000  }
0x94: {  	[sflag:s2] =	ssyncset.done $0x0  }
0x95: {  	s20 =	sadd.s32 $0x1000, s19;
	[sflag:s2] =	ssyncadd.s32 $0xFFFFC000  }
0x96: {  	[hbm4b:s20+s3] =	stream.linear.scatter [tilespmem:s4], [sflag:$0x7], $0x4000, $0x38;
	[tilespmem:$0x12000] =	vst v63  }
0x97: {  	_ =	swait.ge [sflag:s13], $0x4000  }
0x98: {  	[sflag:s13] =	ssyncset.done $0x0  }
0x99: {  	[sflag:s13] =	ssyncadd.s32 $0xFFFFC000  }
0x9a: {  	v2 =	vld.msk [tilespmem:s17+$0x80], $0xff;
	_ =	sdelay $0x4  }
0x9b: {  	v3 =	vshll.u32 v2, $0x4  }
0x9c: {  	v2 =	vand.u32 $0x7, v2;
	v3 =	vand.u32 $0xFFFFFF80, v3  }
0x9d: {  	v2 =	vor.u32 v2, v3  }
0x9e: {  	v2 =	vperm.xlane v2, v0;
	_ =	sdelay $0x1  }
0x9f: {  	v2 =	vadd.s32 v1, v2;
	_ =	sdelay $0x4  }
0xa0: {  	[tilespmem:s16], [sflag:$0x1] =	stream.indirect_vreg.gather [hbm4b:s1+s3], $0x80, v2, vm0, $0xb8;
	[tilespmem:$0x12000] =	vst v63  }
0xa1: {  	s20 =	simm.s32 $0x2800  }
0xa2: {  	[tilespmem:s20], [sflag:$0x1] =	stream.indirect_vreg.gather [hbm4b:s5+s3], $0x80, v2, vm0, $0xb8;
	[tilespmem:$0x12000] =	vst v63  }
0xa3: {  	s20 =	simm.s32 $0x3000  }
0xa4: {  	[tilespmem:s20], [sflag:$0x1] =	stream.indirect_vreg.gather [hbm4b:s6+s3], $0x80, v2, vm0, $0xb8;
	[tilespmem:$0x12000] =	vst v63  }
0xa5: {  	s20 =	simm.s32 $0x3800  }
0xa6: {  	[tilespmem:s20], [sflag:$0x1] =	stream.indirect_vreg.gather [hbm4b:s7+s3], $0x80, v2, vm0, $0xb8;
	[tilespmem:$0x12000] =	vst v63  }
0xa7: {  	s20 =	simm.s32 $0x4000  }
0xa8: {  	[tilespmem:s20], [sflag:$0x1] =	stream.indirect_vreg.gather [hbm4b:s8+s3], $0x80, v2, vm0, $0xb8;
	[tilespmem:$0x12000] =	vst v63  }
0xa9: {  	s20 =	simm.s32 $0x4800  }
0xaa: {  	[tilespmem:s20], [sflag:$0x1] =	stream.indirect_vreg.gather [hbm4b:s9+s3], $0x80, v2, vm0, $0xb8;
	[tilespmem:$0x12000] =	vst v63  }
0xab: {  	s20 =	simm.s32 $0x5000  }
0xac: {  	[tilespmem:s20], [sflag:$0x1] =	stream.indirect_vreg.gather [hbm4b:s10+s3], $0x80, v2, vm0, $0xb8;
	[tilespmem:$0x12000] =	vst v63  }
0xad: {  	s20 =	simm.s32 $0x5800  }
0xae: {  	[tilespmem:s20], [sflag:$0x1] =	stream.indirect_vreg.gather [hbm4b:s11+s3], $0x80, v2, vm0, $0xb8;
	[tilespmem:$0x12000] =	vst v63  }
0xaf: {  	_ =	swait.ge [sflag:s12], $0x4000  }
0xb0: {  	[sflag:s12] =	ssyncset.done $0x0  }
0xb1: {  	s19 =	sadd.s32 $0x1800, s19;
	[sflag:s12] =	ssyncadd.s32 $0xFFFFC000  }
0xb2: {  	[hbm4b:s19+s3] =	stream.linear.scatter [tilespmem:s22], [sflag:$0x8], $0x4000, $0x38;
	[tilespmem:$0x12000] =	vst v63  }
0xb3: {  	_ =	swait.ge [sflag:s15], $0x4000  }
0xb4: {  	[sflag:s15] =	ssyncset.done $0x0  }
0xb5: {  	[sflag:s15] =	ssyncadd.s32 $0xFFFFC000  }
0xb6: {  	v2 =	vld.msk [tilespmem:s17+$0x100], $0xff;
	_ =	sdelay $0x4  }
0xb7: {  	v3 =	vshll.u32 v2, $0x4  }
0xb8: {  	v2 =	vand.u32 $0x7, v2;
	v3 =	vand.u32 $0xFFFFFF80, v3  }
0xb9: {  	v2 =	vor.u32 v2, v3  }
0xba: {  	v2 =	vperm.xlane v2, v0;
	_ =	sdelay $0x1  }
0xbb: {  	v2 =	vadd.s32 v1, v2;
	_ =	sdelay $0x4  }
0xbc: {  	[tilespmem:s24], [sflag:$0x2] =	stream.indirect_vreg.gather [hbm4b:s1+s3], $0x80, v2, vm0, $0xb8;
	[tilespmem:$0x12000] =	vst v63  }
0xbd: {  	s20 =	simm.s32 $0x6800  }
0xbe: {  	[tilespmem:s20], [sflag:$0x2] =	stream.indirect_vreg.gather [hbm4b:s5+s3], $0x80, v2, vm0, $0xb8;
	[tilespmem:$0x12000] =	vst v63  }
0xbf: {  	s20 =	simm.s32 $0x7000  }
0xc0: {  	[tilespmem:s20], [sflag:$0x2] =	stream.indirect_vreg.gather [hbm4b:s6+s3], $0x80, v2, vm0, $0xb8;
	[tilespmem:$0x12000] =	vst v63  }
0xc1: {  	s20 =	simm.s32 $0x7800  }
0xc2: {  	[tilespmem:s20], [sflag:$0x2] =	stream.indirect_vreg.gather [hbm4b:s7+s3], $0x80, v2, vm0, $0xb8;
	[tilespmem:$0x12000] =	vst v63  }
0xc3: {  	s20 =	simm.s32 $0x8000  }
0xc4: {  	[tilespmem:s20], [sflag:$0x2] =	stream.indirect_vreg.gather [hbm4b:s8+s3], $0x80, v2, vm0, $0xb8;
	[tilespmem:$0x12000] =	vst v63  }
0xc5: {  	s20 =	simm.s32 $0x8800  }
0xc6: {  	[tilespmem:s20], [sflag:$0x2] =	stream.indirect_vreg.gather [hbm4b:s9+s3], $0x80, v2, vm0, $0xb8;
	[tilespmem:$0x12000] =	vst v63  }
.Ltmp3:
0xc7: {  	_ = 	snop;
	(pc) =	sbr.rel .LBB2_2-.Ltmp3, $4  }
0xc8: {  	s20 =	simm.s32 $0x9000  }
0xc9: {  	[tilespmem:s20], [sflag:$0x2] =	stream.indirect_vreg.gather [hbm4b:s10+s3], $0x80, v2, vm0, $0xb8;
	[tilespmem:$0x12000] =	vst v63  }
0xca: {  	s18 =	sadd.s32 $0x2000, s18;
	s17 =	sadd.s32 $0x200, s17;
	s20 =	simm.s32 $0x9800  }
0xcb: {  	[tilespmem:s20], [sflag:$0x2] =	stream.indirect_vreg.gather [hbm4b:s11+s3], $0x80, v2, vm0, $0xb8;
	[tilespmem:$0x12000] =	vst v63  }
.LBB2_5:
0xcc: {  	_ =	sfence.sel $0x180000  }
0xcd: {  	[bflag:$0x0] =	sbarrier.arrive $0xFFFF  }
0xce: {  	_ =	strace $0x90000047  }
0xcf: {  	s0 =	stileid.u32;
	[bflag:$0x2] =	sbarrier.arrive $0xFFFF  }
0xd0: {  	p0 =	sne.s32 s0, $0x0;
	s0 =	rddreg [dreg:$0x3]  }
0xd1: {  	s0 =	sadd.s32 @!p0 $0x100000, s0  }
0xd2: {  	[sflag:s0] =	ssyncadd.tile.s32 @!p0 $0x1;
	_ =	shalt  }
.Lfunc_end2:
_tile_overlayer_lowered:
.L_overlay_start_2:
0xd3: {  	(tag) =	ssettag $0x2  }
0xd4: {  	s0 =	rddreg [dreg:$0x0];
	s2 =	stileid.u32  }
0xd5: {  	s1 =	rddreg [dreg:$0x1];
	p0 =	sne.s32 s2, $0x0  }
0xd6: {  	s3 =	rddreg [dreg:$0x2];
	[bflag:$0x3] =	sbarrier.arrive $0xFFFF;
	s2 =	simm.s32 @!p0 $0x1C09  }
0xd7: {  	[timem:s3], [sflag:s2] =	dma.local @!p0 [hbm:s0], s1  }
0xd8: {  	s0 =	simm.s32 @!p0 $0x9  }
0xd9: {  	_ =	swait.ge @!p0 [sflag:s0], s1  }
0xda: {  	s1 =	ssub.s32 @!p0 $0x0, s1;
	[sflag:s0] =	ssyncset.done @!p0 $0x0  }
0xdb: {  	[sflag:s0] =	ssyncadd.s32 @!p0 s1  }
0xdc: {  	[bflag:$0x3] =	sbarrier.arrive $0xFFFF  }
0xdd: {  	_ =	shalt  }

</sc_bundles>
